<compile_context>
chip_gen: v7x
topology: tpu7x:2x2x1
jax: 0.10.2.dev20260603
libtpu: 0.0.44.dev20260713+nightly
codegen_flags: <defaults>
</compile_context>

<pallas_src>
import functools

import jax
import jax.numpy as jnp
from jax import lax
from jax.experimental import pallas as pl
from jax.experimental.pallas import tpu as pltpu
from jax.experimental.pallas import tpu_sc as plsc


def kernel(x, embed_table):
    b, _, h, w = x.shape
    hw = h * w
    d = embed_table.shape[1]

    info = plsc.get_sparse_core_info()
    nc, ns = info.num_cores, info.num_subcores
    nw = nc * ns
    nrb = 4
    rblk = hw // nrb
    nbg = nw // nrb
    bpw = b // nbg

    mesh = plsc.VectorSubcoreMesh(core_axis_name="c", subcore_axis_name="s")

    @functools.partial(
        pl.kernel,
        out_type=jax.ShapeDtypeStruct((b, hw, d), jnp.float32),
        mesh=mesh,
        scratch_types=[
            pltpu.VMEM((rblk, d), jnp.float32),
            pltpu.SemaphoreType.DMA,
        ],
    )
    def sc_broadcast(table_hbm, out_hbm, rows_v, sem):
        wid = lax.axis_index("s") * nc + lax.axis_index("c")
        rb = wid % nrb
        bg = wid // nrb
        pltpu.sync_copy(table_hbm.at[pl.ds(rb * rblk, rblk)], rows_v)
        for i in range(bpw):
            pltpu.async_copy(
                rows_v, out_hbm.at[bg + nbg * i, pl.ds(rb * rblk, rblk)], sem)
        for i in range(bpw):
            pltpu.make_async_copy(
                rows_v, out_hbm.at[bg + nbg * i, pl.ds(rb * rblk, rblk)],
                sem).wait()

    out = sc_broadcast(embed_table)
    return out.reshape(b, h, w, d).transpose(0, 3, 1, 2)

# --- scband reference (transcript-rebuilt; emitter-appended) ---
"""Pipeline reference for scband-coord-layer-new-75952201663091 (READ-ONLY COPY).

The authoritative reference and input builder live on the scoring server;
editing this copy changes nothing except your own understanding.
"""

import jax, jax.numpy as jnp
import numpy as np

EMBED_NUM = 576
EMBED_DIM = 128

def setup_inputs(seed: int = 0) -> dict:
    key = jax.random.key(seed)
    k1, k2 = jax.random.split(key)
    x = jax.random.normal(k1, (64, 384, 24, 24), dtype=jnp.float32)
    # nn.Embedding default init: N(0, 1)
    embed_table = jax.random.normal(k2, (EMBED_NUM, EMBED_DIM), dtype=jnp.float32)
    return {"x": x, "embed_table": embed_table}

def reference(x, embed_table):
    b, c, h, w = x.shape
    d = embed_table.shape[1]
    # torch.linspace(0, h*w-1, h*w).long() -> integer coords 0..h*w-1
    coords = jnp.arange(h * w, dtype=jnp.int32)
    # repeat over batch then embedding gather (same per sample)
    coords_b = jnp.broadcast_to(coords[None, :], (b, h * w))
    emb = jnp.take(embed_table, coords_b, axis=0)  # [b, h*w, d]
    out = emb.reshape(b, h, w, d).transpose(0, 3, 1, 2)  # [b, d, h, w]
    return out

if __name__ == "__main__":
    import jax
    _d = setup_inputs()
    print(jax.jit(kernel)(*tuple(_d.values())))

</pallas_src>

<mosaic_0001>
#map = affine_map<(d0, d1) -> (0, 0)>
#map1 = affine_map<(d0, d1) -> (0, 0, 0)>
module attributes {stable_mosaic.version = 14 : i64} {
  func.func @sc_broadcast(%arg0: i32, %arg1: i32, %arg2: memref<576x128xf32, #tpu.memory_space<hbm>>, %arg3: memref<64x576x128xf32, #tpu.memory_space<hbm>>, %arg4: memref<144x128xf32, #tpu.memory_space<vmem>>, %arg5: memref<!tpu.dma_semaphore, #tpu.memory_space<semaphore_mem>>) attributes {dimension_semantics = [#tpu.dimension_semantics<core_parallel>, #tpu.dimension_semantics<subcore_parallel>], iteration_bounds = array<i64: 2, 16>, scalar_prefetch = 0 : i64, scratch_operands = 2 : i64, tpu.core_type = #tpu.core_type<sc_vector_subcore>, window_params = [{transform_indices = #map}, {transform_indices = #map1}]} {
    %mul3A = arith.constant 2 : i32
    %mul3A_0 = arith.muli %arg1, %mul3A : i32
    %add3A = arith.addi %mul3A_0, %arg0 : i32
    %jit3A = arith.constant 4 : i32
    %eq3A = arith.constant 0 : i32
    %eq3A_1 = arith.cmpi eq, %jit3A, %eq3A : i32
    %jit3A_2 = arith.constant 1 : i32
    %select_n3A = arith.select %eq3A_1, %jit3A_2, %jit3A : i32
    %rem3A = arith.remsi %add3A, %select_n3A : i32
    %ne3A = arith.constant 0 : i32
    %ne3A_3 = arith.cmpi ne, %rem3A, %ne3A : i32
    %lt3A = arith.constant 0 : i32
    %lt3A_4 = arith.cmpi slt, %rem3A, %lt3A : i32
    %lt3A_5 = arith.constant 0 : i32
    %lt3A_6 = arith.cmpi slt, %select_n3A, %lt3A_5 : i32
    %ne3A_7 = arith.xori %lt3A_4, %lt3A_6 : i1
    %and3A = arith.andi %ne3A_7, %ne3A_3 : i1
    %add3A_8 = arith.addi %rem3A, %select_n3A : i32
    %select_n3A_9 = arith.select %and3A, %add3A_8, %rem3A : i32
    %jit3A_10 = arith.constant 4 : i32
    %div3A = arith.divsi %add3A, %jit3A_10 : i32
    %sign3A = arith.constant 0 : i32
    %sign3A_11 = arith.cmpi sgt, %add3A, %sign3A : i32
    %sign3A_12 = arith.extui %sign3A_11 : i1 to i32
    %sign3A_13 = arith.constant 0 : i32
    %sign3A_14 = arith.cmpi slt, %add3A, %sign3A_13 : i32
    %sign3A_15 = arith.extui %sign3A_14 : i1 to i32
    %sign3A_16 = arith.subi %sign3A_12, %sign3A_15 : i32
    %sign3A_17 = arith.constant 0 : i32
    %sign3A_18 = arith.cmpi sgt, %jit3A_10, %sign3A_17 : i32
    %sign3A_19 = arith.extui %sign3A_18 : i1 to i32
    %sign3A_20 = arith.constant 0 : i32
    %sign3A_21 = arith.cmpi slt, %jit3A_10, %sign3A_20 : i32
    %sign3A_22 = arith.extui %sign3A_21 : i1 to i32
    %sign3A_23 = arith.subi %sign3A_19, %sign3A_22 : i32
    %ne3A_24 = arith.cmpi ne, %sign3A_16, %sign3A_23 : i32
    %rem3A_25 = arith.remsi %add3A, %jit3A_10 : i32
    %ne3A_26 = arith.constant 0 : i32
    %ne3A_27 = arith.cmpi ne, %rem3A_25, %ne3A_26 : i32
    %and3A_28 = arith.andi %ne3A_24, %ne3A_27 : i1
    %sub3A = arith.constant 1 : i32
    %sub3A_29 = arith.subi %div3A, %sub3A : i32
    %select_n3A_30 = arith.select %and3A_28, %sub3A_29, %div3A : i32
    %mul3A_31 = arith.constant 144 : i32
    %mul3A_32 = arith.muli %select_n3A_9, %mul3A_31 : i32
    "tpu.region"() ({
      %run_scoped3A = tpu.sem_alloc : memref<!tpu.dma_semaphore, #tpu.memory_space<semaphore_mem>>
      %dma_start3A_191 = arith.constant 0 : i32
      %dma_start3A_192 = tpu.memref_slice %arg2[%mul3A_32, %dma_start3A_191] : memref<576x128xf32, #tpu.memory_space<hbm>> -> memref<144x128xf32, #tpu.memory_space<hbm>>
      %dma_start3A_193 = arith.constant 0 : i32
      %dma_start3A_194 = tpu.memref_slice %arg2[%mul3A_32, %dma_start3A_193] : memref<576x128xf32, #tpu.memory_space<hbm>> -> memref<144x128xf32, #tpu.memory_space<hbm>>
      tpu.enqueue_dma source(%dma_start3A_194 : memref<144x128xf32, #tpu.memory_space<hbm>>) target(%arg4 : memref<144x128xf32, #tpu.memory_space<vmem>>) target_semaphore(%run_scoped3A : memref<!tpu.dma_semaphore, #tpu.memory_space<semaphore_mem>>)
      %dma_wait3A_195 = arith.constant 0 : i32
      %dma_wait3A_196 = tpu.memref_slice %arg2[%mul3A_32, %dma_wait3A_195] : memref<576x128xf32, #tpu.memory_space<hbm>> -> memref<144x128xf32, #tpu.memory_space<hbm>>
      %dma_wait3A_197 = arith.constant 0 : i32
      %dma_wait3A_198 = tpu.memref_slice %arg2[%mul3A_32, %dma_wait3A_197] : memref<576x128xf32, #tpu.memory_space<hbm>> -> memref<144x128xf32, #tpu.memory_space<hbm>>
      tpu.wait_dma2 semaphore(%run_scoped3A : memref<!tpu.dma_semaphore, #tpu.memory_space<semaphore_mem>>) src(%dma_wait3A_198 : memref<144x128xf32, #tpu.memory_space<hbm>>) dst(%arg4 : memref<144x128xf32, #tpu.memory_space<vmem>>)
      tpu.yield
    }) : () -> ()
    %add3A_33 = arith.constant 0 : i32
    %add3A_34 = arith.addi %select_n3A_30, %add3A_33 : i32
    %mul3A_35 = arith.constant 144 : i32
    %mul3A_36 = arith.muli %select_n3A_9, %mul3A_35 : i32
    %dma_start3A = arith.constant 0 : i32
    %dma_start3A_37 = tpu.memref_slice %arg3[%add3A_34, %mul3A_36, %dma_start3A] : memref<64x576x128xf32, #tpu.memory_space<hbm>> -> memref<1x144x128xf32, #tpu.memory_space<hbm>>
    %dma_start3A_38 = tpu.memref_squeeze %dma_start3A_37 : memref<1x144x128xf32, #tpu.memory_space<hbm>> -> memref<144x128xf32, #tpu.memory_space<hbm>>
    %dma_start3A_39 = arith.constant 0 : i32
    %dma_start3A_40 = tpu.memref_slice %arg3[%add3A_34, %mul3A_36, %dma_start3A_39] : memref<64x576x128xf32, #tpu.memory_space<hbm>> -> memref<1x144x128xf32, #tpu.memory_space<hbm>>
    %dma_start3A_41 = tpu.memref_squeeze %dma_start3A_40 : memref<1x144x128xf32, #tpu.memory_space<hbm>> -> memref<144x128xf32, #tpu.memory_space<hbm>>
    tpu.enqueue_dma source(%arg4 : memref<144x128xf32, #tpu.memory_space<vmem>>) target(%dma_start3A_41 : memref<144x128xf32, #tpu.memory_space<hbm>>) target_semaphore(%arg5 : memref<!tpu.dma_semaphore, #tpu.memory_space<semaphore_mem>>)
    %add3A_42 = arith.constant 8 : i32
    %add3A_43 = arith.addi %select_n3A_30, %add3A_42 : i32
    %mul3A_44 = arith.constant 144 : i32
    %mul3A_45 = arith.muli %select_n3A_9, %mul3A_44 : i32
    %dma_start3A_46 = arith.constant 0 : i32
    %dma_start3A_47 = tpu.memref_slice %arg3[%add3A_43, %mul3A_45, %dma_start3A_46] : memref<64x576x128xf32, #tpu.memory_space<hbm>> -> memref<1x144x128xf32, #tpu.memory_space<hbm>>
    %dma_start3A_48 = tpu.memref_squeeze %dma_start3A_47 : memref<1x144x128xf32, #tpu.memory_space<hbm>> -> memref<144x128xf32, #tpu.memory_space<hbm>>
    %dma_start3A_49 = arith.constant 0 : i32
    %dma_start3A_50 = tpu.memref_slice %arg3[%add3A_43, %mul3A_45, %dma_start3A_49] : memref<64x576x128xf32, #tpu.memory_space<hbm>> -> memref<1x144x128xf32, #tpu.memory_space<hbm>>
    %dma_start3A_51 = tpu.memref_squeeze %dma_start3A_50 : memref<1x144x128xf32, #tpu.memory_space<hbm>> -> memref<144x128xf32, #tpu.memory_space<hbm>>
    tpu.enqueue_dma source(%arg4 : memref<144x128xf32, #tpu.memory_space<vmem>>) target(%dma_start3A_51 : memref<144x128xf32, #tpu.memory_space<hbm>>) target_semaphore(%arg5 : memref<!tpu.dma_semaphore, #tpu.memory_space<semaphore_mem>>)
    %add3A_52 = arith.constant 16 : i32
    %add3A_53 = arith.addi %select_n3A_30, %add3A_52 : i32
    %mul3A_54 = arith.constant 144 : i32
    %mul3A_55 = arith.muli %select_n3A_9, %mul3A_54 : i32
    %dma_start3A_56 = arith.constant 0 : i32
    %dma_start3A_57 = tpu.memref_slice %arg3[%add3A_53, %mul3A_55, %dma_start3A_56] : memref<64x576x128xf32, #tpu.memory_space<hbm>> -> memref<1x144x128xf32, #tpu.memory_space<hbm>>
    %dma_start3A_58 = tpu.memref_squeeze %dma_start3A_57 : memref<1x144x128xf32, #tpu.memory_space<hbm>> -> memref<144x128xf32, #tpu.memory_space<hbm>>
    %dma_start3A_59 = arith.constant 0 : i32
    %dma_start3A_60 = tpu.memref_slice %arg3[%add3A_53, %mul3A_55, %dma_start3A_59] : memref<64x576x128xf32, #tpu.memory_space<hbm>> -> memref<1x144x128xf32, #tpu.memory_space<hbm>>
    %dma_start3A_61 = tpu.memref_squeeze %dma_start3A_60 : memref<1x144x128xf32, #tpu.memory_space<hbm>> -> memref<144x128xf32, #tpu.memory_space<hbm>>
    tpu.enqueue_dma source(%arg4 : memref<144x128xf32, #tpu.memory_space<vmem>>) target(%dma_start3A_61 : memref<144x128xf32, #tpu.memory_space<hbm>>) target_semaphore(%arg5 : memref<!tpu.dma_semaphore, #tpu.memory_space<semaphore_mem>>)
    %add3A_62 = arith.constant 24 : i32
    %add3A_63 = arith.addi %select_n3A_30, %add3A_62 : i32
    %mul3A_64 = arith.constant 144 : i32
    %mul3A_65 = arith.muli %select_n3A_9, %mul3A_64 : i32
    %dma_start3A_66 = arith.constant 0 : i32
    %dma_start3A_67 = tpu.memref_slice %arg3[%add3A_63, %mul3A_65, %dma_start3A_66] : memref<64x576x128xf32, #tpu.memory_space<hbm>> -> memref<1x144x128xf32, #tpu.memory_space<hbm>>
    %dma_start3A_68 = tpu.memref_squeeze %dma_start3A_67 : memref<1x144x128xf32, #tpu.memory_space<hbm>> -> memref<144x128xf32, #tpu.memory_space<hbm>>
    %dma_start3A_69 = arith.constant 0 : i32
    %dma_start3A_70 = tpu.memref_slice %arg3[%add3A_63, %mul3A_65, %dma_start3A_69] : memref<64x576x128xf32, #tpu.memory_space<hbm>> -> memref<1x144x128xf32, #tpu.memory_space<hbm>>
    %dma_start3A_71 = tpu.memref_squeeze %dma_start3A_70 : memref<1x144x128xf32, #tpu.memory_space<hbm>> -> memref<144x128xf32, #tpu.memory_space<hbm>>
    tpu.enqueue_dma source(%arg4 : memref<144x128xf32, #tpu.memory_space<vmem>>) target(%dma_start3A_71 : memref<144x128xf32, #tpu.memory_space<hbm>>) target_semaphore(%arg5 : memref<!tpu.dma_semaphore, #tpu.memory_space<semaphore_mem>>)
    %add3A_72 = arith.constant 32 : i32
    %add3A_73 = arith.addi %select_n3A_30, %add3A_72 : i32
    %mul3A_74 = arith.constant 144 : i32
    %mul3A_75 = arith.muli %select_n3A_9, %mul3A_74 : i32
    %dma_start3A_76 = arith.constant 0 : i32
    %dma_start3A_77 = tpu.memref_slice %arg3[%add3A_73, %mul3A_75, %dma_start3A_76] : memref<64x576x128xf32, #tpu.memory_space<hbm>> -> memref<1x144x128xf32, #tpu.memory_space<hbm>>
    %dma_start3A_78 = tpu.memref_squeeze %dma_start3A_77 : memref<1x144x128xf32, #tpu.memory_space<hbm>> -> memref<144x128xf32, #tpu.memory_space<hbm>>
    %dma_start3A_79 = arith.constant 0 : i32
    %dma_start3A_80 = tpu.memref_slice %arg3[%add3A_73, %mul3A_75, %dma_start3A_79] : memref<64x576x128xf32, #tpu.memory_space<hbm>> -> memref<1x144x128xf32, #tpu.memory_space<hbm>>
    %dma_start3A_81 = tpu.memref_squeeze %dma_start3A_80 : memref<1x144x128xf32, #tpu.memory_space<hbm>> -> memref<144x128xf32, #tpu.memory_space<hbm>>
    tpu.enqueue_dma source(%arg4 : memref<144x128xf32, #tpu.memory_space<vmem>>) target(%dma_start3A_81 : memref<144x128xf32, #tpu.memory_space<hbm>>) target_semaphore(%arg5 : memref<!tpu.dma_semaphore, #tpu.memory_space<semaphore_mem>>)
    %add3A_82 = arith.constant 40 : i32
    %add3A_83 = arith.addi %select_n3A_30, %add3A_82 : i32
    %mul3A_84 = arith.constant 144 : i32
    %mul3A_85 = arith.muli %select_n3A_9, %mul3A_84 : i32
    %dma_start3A_86 = arith.constant 0 : i32
    %dma_start3A_87 = tpu.memref_slice %arg3[%add3A_83, %mul3A_85, %dma_start3A_86] : memref<64x576x128xf32, #tpu.memory_space<hbm>> -> memref<1x144x128xf32, #tpu.memory_space<hbm>>
    %dma_start3A_88 = tpu.memref_squeeze %dma_start3A_87 : memref<1x144x128xf32, #tpu.memory_space<hbm>> -> memref<144x128xf32, #tpu.memory_space<hbm>>
    %dma_start3A_89 = arith.constant 0 : i32
    %dma_start3A_90 = tpu.memref_slice %arg3[%add3A_83, %mul3A_85, %dma_start3A_89] : memref<64x576x128xf32, #tpu.memory_space<hbm>> -> memref<1x144x128xf32, #tpu.memory_space<hbm>>
    %dma_start3A_91 = tpu.memref_squeeze %dma_start3A_90 : memref<1x144x128xf32, #tpu.memory_space<hbm>> -> memref<144x128xf32, #tpu.memory_space<hbm>>
    tpu.enqueue_dma source(%arg4 : memref<144x128xf32, #tpu.memory_space<vmem>>) target(%dma_start3A_91 : memref<144x128xf32, #tpu.memory_space<hbm>>) target_semaphore(%arg5 : memref<!tpu.dma_semaphore, #tpu.memory_space<semaphore_mem>>)
    %add3A_92 = arith.constant 48 : i32
    %add3A_93 = arith.addi %select_n3A_30, %add3A_92 : i32
    %mul3A_94 = arith.constant 144 : i32
    %mul3A_95 = arith.muli %select_n3A_9, %mul3A_94 : i32
    %dma_start3A_96 = arith.constant 0 : i32
    %dma_start3A_97 = tpu.memref_slice %arg3[%add3A_93, %mul3A_95, %dma_start3A_96] : memref<64x576x128xf32, #tpu.memory_space<hbm>> -> memref<1x144x128xf32, #tpu.memory_space<hbm>>
    %dma_start3A_98 = tpu.memref_squeeze %dma_start3A_97 : memref<1x144x128xf32, #tpu.memory_space<hbm>> -> memref<144x128xf32, #tpu.memory_space<hbm>>
    %dma_start3A_99 = arith.constant 0 : i32
    %dma_start3A_100 = tpu.memref_slice %arg3[%add3A_93, %mul3A_95, %dma_start3A_99] : memref<64x576x128xf32, #tpu.memory_space<hbm>> -> memref<1x144x128xf32, #tpu.memory_space<hbm>>
    %dma_start3A_101 = tpu.memref_squeeze %dma_start3A_100 : memref<1x144x128xf32, #tpu.memory_space<hbm>> -> memref<144x128xf32, #tpu.memory_space<hbm>>
    tpu.enqueue_dma source(%arg4 : memref<144x128xf32, #tpu.memory_space<vmem>>) target(%dma_start3A_101 : memref<144x128xf32, #tpu.memory_space<hbm>>) target_semaphore(%arg5 : memref<!tpu.dma_semaphore, #tpu.memory_space<semaphore_mem>>)
    %add3A_102 = arith.constant 56 : i32
    %add3A_103 = arith.addi %select_n3A_30, %add3A_102 : i32
    %mul3A_104 = arith.constant 144 : i32
    %mul3A_105 = arith.muli %select_n3A_9, %mul3A_104 : i32
    %dma_start3A_106 = arith.constant 0 : i32
    %dma_start3A_107 = tpu.memref_slice %arg3[%add3A_103, %mul3A_105, %dma_start3A_106] : memref<64x576x128xf32, #tpu.memory_space<hbm>> -> memref<1x144x128xf32, #tpu.memory_space<hbm>>
    %dma_start3A_108 = tpu.memref_squeeze %dma_start3A_107 : memref<1x144x128xf32, #tpu.memory_space<hbm>> -> memref<144x128xf32, #tpu.memory_space<hbm>>
    %dma_start3A_109 = arith.constant 0 : i32
    %dma_start3A_110 = tpu.memref_slice %arg3[%add3A_103, %mul3A_105, %dma_start3A_109] : memref<64x576x128xf32, #tpu.memory_space<hbm>> -> memref<1x144x128xf32, #tpu.memory_space<hbm>>
    %dma_start3A_111 = tpu.memref_squeeze %dma_start3A_110 : memref<1x144x128xf32, #tpu.memory_space<hbm>> -> memref<144x128xf32, #tpu.memory_space<hbm>>
    tpu.enqueue_dma source(%arg4 : memref<144x128xf32, #tpu.memory_space<vmem>>) target(%dma_start3A_111 : memref<144x128xf32, #tpu.memory_space<hbm>>) target_semaphore(%arg5 : memref<!tpu.dma_semaphore, #tpu.memory_space<semaphore_mem>>)
    %add3A_112 = arith.constant 0 : i32
    %add3A_113 = arith.addi %select_n3A_30, %add3A_112 : i32
    %mul3A_114 = arith.constant 144 : i32
    %mul3A_115 = arith.muli %select_n3A_9, %mul3A_114 : i32
    %dma_wait3A = arith.constant 0 : i32
    %dma_wait3A_116 = tpu.memref_slice %arg3[%add3A_113, %mul3A_115, %dma_wait3A] : memref<64x576x128xf32, #tpu.memory_space<hbm>> -> memref<1x144x128xf32, #tpu.memory_space<hbm>>
    %dma_wait3A_117 = tpu.memref_squeeze %dma_wait3A_116 : memref<1x144x128xf32, #tpu.memory_space<hbm>> -> memref<144x128xf32, #tpu.memory_space<hbm>>
    %dma_wait3A_118 = arith.constant 0 : i32
    %dma_wait3A_119 = tpu.memref_slice %arg3[%add3A_113, %mul3A_115, %dma_wait3A_118] : memref<64x576x128xf32, #tpu.memory_space<hbm>> -> memref<1x144x128xf32, #tpu.memory_space<hbm>>
    %dma_wait3A_120 = tpu.memref_squeeze %dma_wait3A_119 : memref<1x144x128xf32, #tpu.memory_space<hbm>> -> memref<144x128xf32, #tpu.memory_space<hbm>>
    tpu.wait_dma2 semaphore(%arg5 : memref<!tpu.dma_semaphore, #tpu.memory_space<semaphore_mem>>) src(%arg4 : memref<144x128xf32, #tpu.memory_space<vmem>>) dst(%dma_wait3A_120 : memref<144x128xf32, #tpu.memory_space<hbm>>)
    %add3A_121 = arith.constant 8 : i32
    %add3A_122 = arith.addi %select_n3A_30, %add3A_121 : i32
    %mul3A_123 = arith.constant 144 : i32
    %mul3A_124 = arith.muli %select_n3A_9, %mul3A_123 : i32
    %dma_wait3A_125 = arith.constant 0 : i32
    %dma_wait3A_126 = tpu.memref_slice %arg3[%add3A_122, %mul3A_124, %dma_wait3A_125] : memref<64x576x128xf32, #tpu.memory_space<hbm>> -> memref<1x144x128xf32, #tpu.memory_space<hbm>>
    %dma_wait3A_127 = tpu.memref_squeeze %dma_wait3A_126 : memref<1x144x128xf32, #tpu.memory_space<hbm>> -> memref<144x128xf32, #tpu.memory_space<hbm>>
    %dma_wait3A_128 = arith.constant 0 : i32
    %dma_wait3A_129 = tpu.memref_slice %arg3[%add3A_122, %mul3A_124, %dma_wait3A_128] : memref<64x576x128xf32, #tpu.memory_space<hbm>> -> memref<1x144x128xf32, #tpu.memory_space<hbm>>
    %dma_wait3A_130 = tpu.memref_squeeze %dma_wait3A_129 : memref<1x144x128xf32, #tpu.memory_space<hbm>> -> memref<144x128xf32, #tpu.memory_space<hbm>>
    tpu.wait_dma2 semaphore(%arg5 : memref<!tpu.dma_semaphore, #tpu.memory_space<semaphore_mem>>) src(%arg4 : memref<144x128xf32, #tpu.memory_space<vmem>>) dst(%dma_wait3A_130 : memref<144x128xf32, #tpu.memory_space<hbm>>)
    %add3A_131 = arith.constant 16 : i32
    %add3A_132 = arith.addi %select_n3A_30, %add3A_131 : i32
    %mul3A_133 = arith.constant 144 : i32
    %mul3A_134 = arith.muli %select_n3A_9, %mul3A_133 : i32
    %dma_wait3A_135 = arith.constant 0 : i32
    %dma_wait3A_136 = tpu.memref_slice %arg3[%add3A_132, %mul3A_134, %dma_wait3A_135] : memref<64x576x128xf32, #tpu.memory_space<hbm>> -> memref<1x144x128xf32, #tpu.memory_space<hbm>>
    %dma_wait3A_137 = tpu.memref_squeeze %dma_wait3A_136 : memref<1x144x128xf32, #tpu.memory_space<hbm>> -> memref<144x128xf32, #tpu.memory_space<hbm>>
    %dma_wait3A_138 = arith.constant 0 : i32
    %dma_wait3A_139 = tpu.memref_slice %arg3[%add3A_132, %mul3A_134, %dma_wait3A_138] : memref<64x576x128xf32, #tpu.memory_space<hbm>> -> memref<1x144x128xf32, #tpu.memory_space<hbm>>
    %dma_wait3A_140 = tpu.memref_squeeze %dma_wait3A_139 : memref<1x144x128xf32, #tpu.memory_space<hbm>> -> memref<144x128xf32, #tpu.memory_space<hbm>>
    tpu.wait_dma2 semaphore(%arg5 : memref<!tpu.dma_semaphore, #tpu.memory_space<semaphore_mem>>) src(%arg4 : memref<144x128xf32, #tpu.memory_space<vmem>>) dst(%dma_wait3A_140 : memref<144x128xf32, #tpu.memory_space<hbm>>)
    %add3A_141 = arith.constant 24 : i32
    %add3A_142 = arith.addi %select_n3A_30, %add3A_141 : i32
    %mul3A_143 = arith.constant 144 : i32
    %mul3A_144 = arith.muli %select_n3A_9, %mul3A_143 : i32
    %dma_wait3A_145 = arith.constant 0 : i32
    %dma_wait3A_146 = tpu.memref_slice %arg3[%add3A_142, %mul3A_144, %dma_wait3A_145] : memref<64x576x128xf32, #tpu.memory_space<hbm>> -> memref<1x144x128xf32, #tpu.memory_space<hbm>>
    %dma_wait3A_147 = tpu.memref_squeeze %dma_wait3A_146 : memref<1x144x128xf32, #tpu.memory_space<hbm>> -> memref<144x128xf32, #tpu.memory_space<hbm>>
    %dma_wait3A_148 = arith.constant 0 : i32
    %dma_wait3A_149 = tpu.memref_slice %arg3[%add3A_142, %mul3A_144, %dma_wait3A_148] : memref<64x576x128xf32, #tpu.memory_space<hbm>> -> memref<1x144x128xf32, #tpu.memory_space<hbm>>
    %dma_wait3A_150 = tpu.memref_squeeze %dma_wait3A_149 : memref<1x144x128xf32, #tpu.memory_space<hbm>> -> memref<144x128xf32, #tpu.memory_space<hbm>>
    tpu.wait_dma2 semaphore(%arg5 : memref<!tpu.dma_semaphore, #tpu.memory_space<semaphore_mem>>) src(%arg4 : memref<144x128xf32, #tpu.memory_space<vmem>>) dst(%dma_wait3A_150 : memref<144x128xf32, #tpu.memory_space<hbm>>)
    %add3A_151 = arith.constant 32 : i32
    %add3A_152 = arith.addi %select_n3A_30, %add3A_151 : i32
    %mul3A_153 = arith.constant 144 : i32
    %mul3A_154 = arith.muli %select_n3A_9, %mul3A_153 : i32
    %dma_wait3A_155 = arith.constant 0 : i32
    %dma_wait3A_156 = tpu.memref_slice %arg3[%add3A_152, %mul3A_154, %dma_wait3A_155] : memref<64x576x128xf32, #tpu.memory_space<hbm>> -> memref<1x144x128xf32, #tpu.memory_space<hbm>>
    %dma_wait3A_157 = tpu.memref_squeeze %dma_wait3A_156 : memref<1x144x128xf32, #tpu.memory_space<hbm>> -> memref<144x128xf32, #tpu.memory_space<hbm>>
    %dma_wait3A_158 = arith.constant 0 : i32
    %dma_wait3A_159 = tpu.memref_slice %arg3[%add3A_152, %mul3A_154, %dma_wait3A_158] : memref<64x576x128xf32, #tpu.memory_space<hbm>> -> memref<1x144x128xf32, #tpu.memory_space<hbm>>
    %dma_wait3A_160 = tpu.memref_squeeze %dma_wait3A_159 : memref<1x144x128xf32, #tpu.memory_space<hbm>> -> memref<144x128xf32, #tpu.memory_space<hbm>>
    tpu.wait_dma2 semaphore(%arg5 : memref<!tpu.dma_semaphore, #tpu.memory_space<semaphore_mem>>) src(%arg4 : memref<144x128xf32, #tpu.memory_space<vmem>>) dst(%dma_wait3A_160 : memref<144x128xf32, #tpu.memory_space<hbm>>)
    %add3A_161 = arith.constant 40 : i32
    %add3A_162 = arith.addi %select_n3A_30, %add3A_161 : i32
    %mul3A_163 = arith.constant 144 : i32
    %mul3A_164 = arith.muli %select_n3A_9, %mul3A_163 : i32
    %dma_wait3A_165 = arith.constant 0 : i32
    %dma_wait3A_166 = tpu.memref_slice %arg3[%add3A_162, %mul3A_164, %dma_wait3A_165] : memref<64x576x128xf32, #tpu.memory_space<hbm>> -> memref<1x144x128xf32, #tpu.memory_space<hbm>>
    %dma_wait3A_167 = tpu.memref_squeeze %dma_wait3A_166 : memref<1x144x128xf32, #tpu.memory_space<hbm>> -> memref<144x128xf32, #tpu.memory_space<hbm>>
    %dma_wait3A_168 = arith.constant 0 : i32
    %dma_wait3A_169 = tpu.memref_slice %arg3[%add3A_162, %mul3A_164, %dma_wait3A_168] : memref<64x576x128xf32, #tpu.memory_space<hbm>> -> memref<1x144x128xf32, #tpu.memory_space<hbm>>
    %dma_wait3A_170 = tpu.memref_squeeze %dma_wait3A_169 : memref<1x144x128xf32, #tpu.memory_space<hbm>> -> memref<144x128xf32, #tpu.memory_space<hbm>>
    tpu.wait_dma2 semaphore(%arg5 : memref<!tpu.dma_semaphore, #tpu.memory_space<semaphore_mem>>) src(%arg4 : memref<144x128xf32, #tpu.memory_space<vmem>>) dst(%dma_wait3A_170 : memref<144x128xf32, #tpu.memory_space<hbm>>)
    %add3A_171 = arith.constant 48 : i32
    %add3A_172 = arith.addi %select_n3A_30, %add3A_171 : i32
    %mul3A_173 = arith.constant 144 : i32
    %mul3A_174 = arith.muli %select_n3A_9, %mul3A_173 : i32
    %dma_wait3A_175 = arith.constant 0 : i32
    %dma_wait3A_176 = tpu.memref_slice %arg3[%add3A_172, %mul3A_174, %dma_wait3A_175] : memref<64x576x128xf32, #tpu.memory_space<hbm>> -> memref<1x144x128xf32, #tpu.memory_space<hbm>>
    %dma_wait3A_177 = tpu.memref_squeeze %dma_wait3A_176 : memref<1x144x128xf32, #tpu.memory_space<hbm>> -> memref<144x128xf32, #tpu.memory_space<hbm>>
    %dma_wait3A_178 = arith.constant 0 : i32
    %dma_wait3A_179 = tpu.memref_slice %arg3[%add3A_172, %mul3A_174, %dma_wait3A_178] : memref<64x576x128xf32, #tpu.memory_space<hbm>> -> memref<1x144x128xf32, #tpu.memory_space<hbm>>
    %dma_wait3A_180 = tpu.memref_squeeze %dma_wait3A_179 : memref<1x144x128xf32, #tpu.memory_space<hbm>> -> memref<144x128xf32, #tpu.memory_space<hbm>>
    tpu.wait_dma2 semaphore(%arg5 : memref<!tpu.dma_semaphore, #tpu.memory_space<semaphore_mem>>) src(%arg4 : memref<144x128xf32, #tpu.memory_space<vmem>>) dst(%dma_wait3A_180 : memref<144x128xf32, #tpu.memory_space<hbm>>)
    %add3A_181 = arith.constant 56 : i32
    %add3A_182 = arith.addi %select_n3A_30, %add3A_181 : i32
    %mul3A_183 = arith.constant 144 : i32
    %mul3A_184 = arith.muli %select_n3A_9, %mul3A_183 : i32
    %dma_wait3A_185 = arith.constant 0 : i32
    %dma_wait3A_186 = tpu.memref_slice %arg3[%add3A_182, %mul3A_184, %dma_wait3A_185] : memref<64x576x128xf32, #tpu.memory_space<hbm>> -> memref<1x144x128xf32, #tpu.memory_space<hbm>>
    %dma_wait3A_187 = tpu.memref_squeeze %dma_wait3A_186 : memref<1x144x128xf32, #tpu.memory_space<hbm>> -> memref<144x128xf32, #tpu.memory_space<hbm>>
    %dma_wait3A_188 = arith.constant 0 : i32
    %dma_wait3A_189 = tpu.memref_slice %arg3[%add3A_182, %mul3A_184, %dma_wait3A_188] : memref<64x576x128xf32, #tpu.memory_space<hbm>> -> memref<1x144x128xf32, #tpu.memory_space<hbm>>
    %dma_wait3A_190 = tpu.memref_squeeze %dma_wait3A_189 : memref<1x144x128xf32, #tpu.memory_space<hbm>> -> memref<144x128xf32, #tpu.memory_space<hbm>>
    tpu.wait_dma2 semaphore(%arg5 : memref<!tpu.dma_semaphore, #tpu.memory_space<semaphore_mem>>) src(%arg4 : memref<144x128xf32, #tpu.memory_space<vmem>>) dst(%dma_wait3A_190 : memref<144x128xf32, #tpu.memory_space<hbm>>)
    return
  }
}

</mosaic_0001>

<sc_bundles>
// kernel: kernel.3.cloned.1.call-start
scs
__scs_entry_jumppad:
0x0: {  	(pc) =	sbr.rel $0x88, $3  }
0x1: {  	(tag) =	ssettag $0x0;
	lr =	simm.s32 $0x1  }
0x2: {  	[smem:$0x3FA0] =	sst lr;
	_ =	strace $0xD0000000  }
0x3: {  	_ = 	snop  }
0x4: {  	_ = 	snop  }
0x5: {  	_ = 	snop  }
0x6: {  	_ = 	snop  }
0x7: {  	_ = 	snop  }
__scs_overlays_trampoline_lowered:
0x8: {  	[smem:$0x3FAF] =	sst s0  }
0x9: {  	[smem:$0x3FB0] =	sst s1  }
0xa: {  	[smem:$0x3FB1] =	sst s2  }
0xb: {  	[smem:$0x3FB2] =	sst s3  }
0xc: {  	[smem:$0x3FB3] =	sst s4  }
0xd: {  	[smem:$0x3FB4] =	sst s5  }
0xe: {  	[smem:$0x3FB5] =	sst s6  }
0xf: {  	[smem:$0x3FB6] =	sst s7  }
0x10: {  	[smem:$0x3FB7] =	sst s8  }
0x11: {  	[smem:$0x3FB8] =	sst s9;
	s0 =	simm.s32 @!p0 $0x0  }
0x12: {  	s1 =	sld [smem:$0x3F9E];
	s0 =	simm.s32 @p0 $0x1  }
0x13: {  	[smem:$0x3FB9] =	sst s0;
	s0 =	simm.s32 @!p1 $0x0  }
0x14: {  	s2 =	sld [smem:$0x3F9D];
	s0 =	simm.s32 @p1 $0x1  }
0x15: {  	[smem:$0x3FBA] =	sst s0;
	s0 =	simm.s32 @!p2 $0x0  }
0x16: {  	s3 =	sld [smem:$0x3FDB];
	s0 =	simm.s32 @p2 $0x1  }
0x17: {  	s4 =	simm.s32 $0x1BF5;
	[smem:$0x3FBC] =	sst s0  }
0x18: {  	s0 =	sld [smem:$0x3F9F];
	_ =	swait.ge [sflag:s4], $0x0  }
0x19: {  	s7 =	sld [smem:$0x3FA0]  }
0x1a: {  	s8 =	sadd.s32 $0xFFFFE003, lr  }
0x1b: {  	s9 =	sadd.s32 $0xFFFFFEF7, lr;
	s5 =	simm.s32 $0xFFFFFFFF;
	p2 =	slt.u32 s8, $0xFFFFF086  }
0x1c: {  	p1 =	slt.u32 s9, $0xF7A;
	s5 =	simm.s32 @!p2 $0x0  }
0x1d: {  	s5 =	simm.s32 @p1 $0x1;
	p0 =	seq.s32 s7, s2  }
0x1e: {  	s7 =	smul.u32 @!p0 $0xF7A, s2;
	p2 =	seq.s32 @!p0 s5, $0x0  }
0x1f: {  	s9 =	smul.u32 $0xF7A, s1;
	s8 =	simm.s32 @!p0 $0x1BF5;
	p2 =	por !p2, p0  }
0x20: {  	[sflag:s8] =	ssyncset.s32 @!p0 $0xFFFFF086;
	s6 =	sadd.s32 @!p0 s3, s7;
	s7 =	simm.s32 @!p0 $0x108  }
0x21: {  	s3 =	sadd.s32 s3, s9;
	s6 =	sadd.s32 @!p0 $0x88, s6;
	s7 =	simm.s32 @p2 $0x1082  }
0x22: {  	[simem:s7], [sflag:s8] =	dma.local @!p0 [hbm:s6], $0xF7A  }
0x23: {  	s9 =	sor.u32 $0xD0000000, s2;
	s6 =	simm.s32 $0x108;
	_ =	swait.ge @!p0 [sflag:s8], $0x0  }
0x24: {  	s3 =	sadd.s32 $0x88, s3;
	s6 =	simm.s32 @!p1 $0x1082;
	[sflag:s4] =	ssyncset.s32 $0xFFFFF086  }
0x25: {  	[simem:s6], [sflag:s4] =	dma.local [hbm:s3], $0xF7A  }
0x26: {  	[smem:$0x3FA0] =	sst s1;
	(tag) =	ssettag s2;
	_ =	strace s9  }
0x27: {  	s1 =	sld [smem:$0x3FB0]  }
0x28: {  	s2 =	sld [smem:$0x3FB1]  }
0x29: {  	s4 =	sld [smem:$0x3FB3]  }
0x2a: {  	p0 =	seq.s32 s5, $0x0;
	s5 =	sld [smem:$0x3FB4]  }
0x2b: {  	s6 =	sld [smem:$0x3FB5]  }
0x2c: {  	s7 =	sld [smem:$0x3FB6]  }
0x2d: {  	s3 =	simm.s32 $0x108;
	s8 =	sld [smem:$0x3FB7]  }
0x2e: {  	s3 =	simm.s32 @!p0 $0x1082;
	s9 =	sld [smem:$0x3FB8]  }
0x2f: {  	lr =	sadd.s32 s0, s3;
	s0 =	sld [smem:$0x3FAF]  }
0x30: {  	s3 =	sld [smem:$0x3FB2]  }
0x31: {  	[smem:$0x3FBB] =	sst s10  }
0x32: {  	s10 =	sld [smem:$0x3FB9];
	_ =	sdelay $0x3  }
0x33: {  	p0 =	seq.s32 s10, $0x1;
	s10 =	sld [smem:$0x3FBB];
	_ =	sdelay $0x3  }
0x34: {  	[smem:$0x3FBB] =	sst s10  }
0x35: {  	s10 =	sld [smem:$0x3FBA];
	_ =	sdelay $0x3  }
0x36: {  	p1 =	seq.s32 s10, $0x1;
	s10 =	sld [smem:$0x3FBB];
	_ =	sdelay $0x3  }
0x37: {  	[smem:$0x3FBB] =	sst s10  }
0x38: {  	s10 =	sld [smem:$0x3FBC]  }
0x39: {  	_ = 	snop;
	(pc) =	sbr.ind lr, $3  }
0x3a: {  	_ = 	snop  }
0x3b: {  	_ = 	snop  }
0x3c: {  	p2 =	seq.s32 s10, $0x1;
	s10 =	sld [smem:$0x3FBB]  }
0x3d: {  	_ =	shalt  }
0x3e: {  	_ =	shalt  }
0x3f: {  	_ =	shalt  }
0x40: {  	_ =	shalt  }
0x41: {  	_ =	shalt  }
0x42: {  	_ =	shalt  }
0x43: {  	_ =	shalt  }
0x44: {  	_ =	shalt  }
0x45: {  	_ =	shalt  }
0x46: {  	_ =	shalt  }
0x47: {  	_ =	shalt  }
0x48: {  	_ =	shalt  }
0x49: {  	_ =	shalt  }
0x4a: {  	_ =	shalt  }
0x4b: {  	_ =	shalt  }
0x4c: {  	_ =	shalt  }
0x4d: {  	_ =	shalt  }
0x4e: {  	_ =	shalt  }
0x4f: {  	_ =	shalt  }
0x50: {  	_ =	shalt  }
0x51: {  	_ =	shalt  }
0x52: {  	_ =	shalt  }
0x53: {  	_ =	shalt  }
0x54: {  	_ =	shalt  }
0x55: {  	_ =	shalt  }
0x56: {  	_ =	shalt  }
0x57: {  	_ =	shalt  }
0x58: {  	_ =	shalt  }
0x59: {  	_ =	shalt  }
0x5a: {  	_ =	shalt  }
0x5b: {  	_ =	shalt  }
0x5c: {  	_ =	shalt  }
0x5d: {  	_ =	shalt  }
0x5e: {  	_ =	shalt  }
0x5f: {  	_ =	shalt  }
0x60: {  	_ =	shalt  }
0x61: {  	_ =	shalt  }
0x62: {  	_ =	shalt  }
0x63: {  	_ =	shalt  }
0x64: {  	_ =	shalt  }
0x65: {  	_ =	shalt  }
0x66: {  	_ =	shalt  }
0x67: {  	_ =	shalt  }
0x68: {  	_ =	shalt  }
0x69: {  	_ =	shalt  }
0x6a: {  	_ =	shalt  }
0x6b: {  	_ =	shalt  }
0x6c: {  	_ =	shalt  }
0x6d: {  	_ =	shalt  }
0x6e: {  	_ =	shalt  }
0x6f: {  	_ =	shalt  }
0x70: {  	_ =	shalt  }
0x71: {  	_ =	shalt  }
0x72: {  	_ =	shalt  }
0x73: {  	_ =	shalt  }
0x74: {  	_ =	shalt  }
0x75: {  	_ =	shalt  }
0x76: {  	_ =	shalt  }
0x77: {  	_ =	shalt  }
0x78: {  	_ =	shalt  }
0x79: {  	_ =	shalt  }
0x7a: {  	_ =	shalt  }
0x7b: {  	_ =	shalt  }
0x7c: {  	_ =	shalt  }
0x7d: {  	_ =	shalt  }
0x7e: {  	_ =	shalt  }
0x7f: {  	_ =	shalt  }
0x80: {  	_ =	shalt  }
0x81: {  	_ =	shalt  }
0x82: {  	_ =	shalt  }
0x83: {  	_ =	shalt  }
0x84: {  	_ =	shalt  }
0x85: {  	_ =	shalt  }
0x86: {  	_ =	shalt  }
0x87: {  	_ =	shalt  }
.Lfunc_end0:
.L_simem_size_0:
called_computation_lowered:
.L_overlay_start_0:
0x88: {  	s2 =	sld [smem:$0x3FD9]  }
0x89: {  	s3 =	sld [smem:$0x3FFE];
	_ =	sdelay $0x1  }
0x8a: {  	s1 =	srdreg.scid  }
0x8b: {  	s0 =	sand.u32 $0x1, s1  }
0x8c: {  	s18 =	sshll.u32 s0, $0xA;
	s2 =	sadd.s32 s3, s2  }
0x8d: {  	s2 =	sadd.s32 s2, s18  }
0x8e: {  	[smem:$0x3FC7] =	sst s2  }
0x8f: {  	_ = 	snop  }
0x90: {  	s2 =	sld [smem:$0x3FC9]  }
0x91: {  	s19 =	sld [smem:$0x3FD0];
	(tm) =	ssettm $0x1  }
0x92: {  	s4 =	sld [smem:$0x3FFB];
	_ =	sdelay $0x3  }
0x93: {  	_ =	strace s4  }
0x94: {  	s4 =	sld [smem:$0x3FFC];
	_ =	sdelay $0x3  }
0x95: {  	_ =	strace s4  }
0x96: {  	s4 =	sld [smem:$0x3FFD];
	_ =	sdelay $0x3  }
0x97: {  	_ =	strace s4  }
0x98: {  	_ =	strace $0x8FFFFFFF  }
0x99: {  	s20 =	sld [smem:$0x3FDB];
	_ =	sdelay $0x1  }
0x9a: {  	s5 =	simm.s32 $_scs_section_size  }
0x9b: {  	s6 =	simm.s32 $_size__tile_overlayer_lowered;
	s7 =	simm.s32 $_tile_overlayer_lowered  }
0x9c: {  	s23 =	simm.s32 $0x1BFF;
	s22 =	sshll.u32 s7, $0x1;
	s4 =	sadd.s32 s5, s20  }
0x9d: {  	s8 =	simm.s32 $0x0;
	s21 =	sshll.u32 s6, $0x1;
	s6 =	sadd.s32 s22, s4  }
0x9e: {  	[timem:s8], [sflag:s23] =	dma.local [hbm:s6], s21  }
0x9f: {  	_ =	swait.ge [sflag:s23], s21  }
0xa0: {  	s5 =	ssub.s32 $0x0, s21;
	[sflag:s23] =	ssyncset.done $0x0  }
0xa1: {  	[sflag:s23] =	ssyncadd.s32 s5;
	_ =	sdelay $0x1  }
0xa2: {  	s24 =	simm.s32 $0x1B8B  }
0xa3: {  	_ =	swait.ge [sflag:s24], $0x1  }
0xa4: {  	[sflag:s24] =	ssyncset.done $0x0  }
0xa5: {  	s25 =	simm.s32 $0x1B8E;
	[sflag:s24] =	ssyncadd.s32 $0xFFFFFFFF  }
0xa6: {  	s26 =	simm.s32 $execute0_lowered;
	[smem:$0x3FD2] =	sst s25  }
0xa7: {  	s5 =	sshll.u32 s26, $0x1;
	_ =	strace $0x80000046;
	[dreg:$0x1] =	wrdreg $0xFFFFFFFF  }
0xa8: {  	s28 =	simm.s32 $_size_execute0_lowered;
	s4 =	sadd.s32 s4, s5;
	[dreg:$0x0] =	wrdreg $0x0  }
0xa9: {  	s5 =	sshll.u32 s28, $0x1;
	[dreg:$0x2] =	wrdreg s4  }
0xaa: {  	[dreg:$0x3] =	wrdreg s5  }
0xab: {  	[dreg:$0x4] =	wrdreg $0xC0  }
0xac: {  	_ =	task [dreg:s8], $0x5FFFF  }
0xad: {  	[dreg:$0x1] =	wrdreg $0xFFFFFFFF  }
0xae: {  	[dreg:$0x0] =	wrdreg $0x60  }
0xaf: {  	[dreg:$0x2] =	wrdreg s2  }
0xb0: {  	[dreg:$0x3] =	wrdreg s19  }
0xb1: {  	[dreg:$0x4] =	wrdreg $0x9  }
0xb2: {  	_ =	task.clear_ibuf [dreg:s8], $0x5FFFF;
	_ =	strace $0x90000046  }
0xb3: {  	s29 =	simm.s32 $0x9;
	_ =	strace $0x80000048  }
0xb4: {  	_ =	swait.ge [sflag:s29], $0x1  }
0xb5: {  	[sflag:s29] =	ssyncadd.s32 $0xFFFFFFFF  }
0xb6: {  	_ =	strace $0x90000048  }
0xb7: {  	_ =	sfence  }
0xb8: {  	s30 =	sld [smem:$0x0];
	_ =	sdelay $0x2  }
0xb9: {  	s31 =	sshll.u32 s1, $0xD;
	s1 =	sshrl.u32 s1, $0x2  }
0xba: {  	s3 =	sand.u32 $0x4000, s31;
	s1 =	sadd.s32 s1, s30  }
0xbb: {  	s0 =	sor.u32 s3, s0;
	s1 =	sshll.u32 s1, $0x11  }
0xbc: {  	s0 =	sor.u32 s1, s0  }
0xbd: {  	s0 =	sadd.s32 $0x8F2B, s0  }
0xbe: {  	[sflag:s0] =	ssyncadd.remote.s32 $0x1  }
0xbf: {  	_ =	sfence.sel $0xFFFF  }
0xc0: {  	[dreg:$0x0] =	wrdreg $0xFFFFFFFF;
	(pc) =	sbr.abs _section_cstart, $3  }
0xc1: {  	[dreg:$0x1] =	wrdreg $0xFFFFFFFF  }
0xc2: {  	_ =	task.clear_ibuf [dreg:s8], $0x2FFFF;
	_ =	strace $0x9FFFFFFF  }
0xc3: {  	(tm) =	ssettm $0x7FFFFFFF  }
tec
execute0_lowered:
.L_overlay_start_1:
0x0: {  	(tag) =	ssettag $0x1  }
0x1: {  	s0 =	stileid.u32  }
0x2: {  	s1 =	srdreg.scid;
	s2 =	sshll.u32 s0, $0x1  }
0x3: {  	s14 =	sand.u32 $0x1, s1;
	s29 =	sand.u32 $0x2, s2  }
0x4: {  	s3 =	rddreg [dreg:$0x0];
	s4 =	sor.u32 s14, s29  }
0x5: {  	s5 =	rddreg [dreg:$0x1];
	s6 =	smul.u32 $0x4800, s4  }
0x6: {  	s1 =	rddreg [dreg:$0x2];
	s30 =	sshrl.u32 s0, $0x1;
	s2 =	simm.s32 $0x0  }
0x7: {  	s31 =	smul.u32 $0x12000, s30;
	[smem:$0x7FF] =	sst s2;
	s7 =	sshrl.u32 s6, $0x3  }
0x8: {  	_ =	strace $0x80000047;
	s4 =	simm.s32 $0x2;
	s3 =	sadd.s32 s3, s7  }
0x9: {  	[tilespmem:s2], [sflag:$0x2] =	stream.linear.gather [hbm4b:s3+s2], $0x4800, $0x38;
	[tilespmem:$0x4800] =	vst v63  }
0xa: {  	s6 =	sadd.s32 s31, s6;
	_ =	swait.ge [sflag:s4], $0x4800  }
0xb: {  	s6 =	sshrl.u32 s6, $0x3;
	[sflag:s4] =	ssyncset.done $0x0  }
0xc: {  	s5 =	sadd.s32 s5, s6;
	[sflag:s4] =	ssyncadd.s32 $0xFFFFB800  }
0xd: {  	[hbm4b:s5+s2] =	stream.linear.scatter [tilespmem:s2], [sflag:$0x1], $0x4800, $0x38;
	[tilespmem:$0x4800] =	vst v63  }
0xe: {  	s6 =	sadd.s32 $0x12000, s5  }
0xf: {  	[hbm4b:s6+s2] =	stream.linear.scatter [tilespmem:s2], [sflag:$0x1], $0x4800, $0x38;
	[tilespmem:$0x4800] =	vst v63  }
0x10: {  	s7 =	sadd.s32 $0x24000, s5  }
0x11: {  	[hbm4b:s7+s2] =	stream.linear.scatter [tilespmem:s2], [sflag:$0x1], $0x4800, $0x38;
	[tilespmem:$0x4800] =	vst v63  }
0x12: {  	s8 =	sadd.s32 $0x36000, s5  }
0x13: {  	[hbm4b:s8+s2] =	stream.linear.scatter [tilespmem:s2], [sflag:$0x1], $0x4800, $0x38;
	[tilespmem:$0x4800] =	vst v63  }
0x14: {  	s9 =	sadd.s32 $0x48000, s5  }
0x15: {  	[hbm4b:s9+s2] =	stream.linear.scatter [tilespmem:s2], [sflag:$0x1], $0x4800, $0x38;
	[tilespmem:$0x4800] =	vst v63  }
0x16: {  	s10 =	sadd.s32 $0x5A000, s5  }
0x17: {  	[hbm4b:s10+s2] =	stream.linear.scatter [tilespmem:s2], [sflag:$0x1], $0x4800, $0x38;
	[tilespmem:$0x4800] =	vst v63  }
0x18: {  	s11 =	sadd.s32 $0x6C000, s5  }
0x19: {  	[hbm4b:s11+s2] =	stream.linear.scatter [tilespmem:s2], [sflag:$0x1], $0x4800, $0x38;
	[tilespmem:$0x4800] =	vst v63  }
0x1a: {  	s12 =	simm.s32 $0x1;
	s13 =	sadd.s32 $0x7E000, s5  }
0x1b: {  	[hbm4b:s13+s2] =	stream.linear.scatter [tilespmem:s2], [sflag:$0x1], $0x4800, $0x38;
	[tilespmem:$0x4800] =	vst v63  }
0x1c: {  	_ =	swait.ge [sflag:s12], $0x4800  }
0x1d: {  	[sflag:s12] =	ssyncset.done $0x0  }
0x1e: {  	[sflag:s12] =	ssyncadd.s32 $0xFFFFB800  }
0x1f: {  	_ =	swait.ge [sflag:s12], $0x4800  }
0x20: {  	[sflag:s12] =	ssyncset.done $0x0  }
0x21: {  	[sflag:s12] =	ssyncadd.s32 $0xFFFFB800  }
0x22: {  	_ =	swait.ge [sflag:s12], $0x4800  }
0x23: {  	[sflag:s12] =	ssyncset.done $0x0  }
0x24: {  	[sflag:s12] =	ssyncadd.s32 $0xFFFFB800  }
0x25: {  	_ =	swait.ge [sflag:s12], $0x4800  }
0x26: {  	[sflag:s12] =	ssyncset.done $0x0  }
0x27: {  	[sflag:s12] =	ssyncadd.s32 $0xFFFFB800  }
0x28: {  	_ =	swait.ge [sflag:s12], $0x4800  }
0x29: {  	s14 =	ssub.s32 $0x2, s14;
	[sflag:s12] =	ssyncset.done $0x0  }
0x2a: {  	s15 =	sshrl.u32 s14, $0x1;
	[sflag:s12] =	ssyncadd.s32 $0xFFFFB800  }
0x2b: {  	s14 =	ssub.s32 s14, s15;
	_ =	swait.ge [sflag:s12], $0x4800  }
0x2c: {  	s14 =	smax.u32 s14, $0x1;
	[sflag:s12] =	ssyncset.done $0x0  }
0x2d: {  	p0 =	sne.s32 s14, $0x1;
	[sflag:s12] =	ssyncadd.s32 $0xFFFFB800  }
.Ltmp0:
0x2e: {  	_ =	swait.ge [sflag:s12], $0x4800;
	(pc) =	sbr.rel @!p0 .LBB2_2-.Ltmp0, $4  }
0x2f: {  	[sflag:s12] =	ssyncset.done $0x0  }
0x30: {  	[sflag:s12] =	ssyncadd.s32 $0xFFFFB800  }
0x31: {  	_ =	swait.ge [sflag:s12], $0x4800  }
0x32: {  	s14 =	sadd.s32 $0xFFFFFFFF, s14;
	[sflag:s12] =	ssyncset.done $0x0  }
.LBB2_1:
0x33: {  	p0 =	sne.s32 s14, $0x1;
	s14 =	sadd.s32 $0xFFFFFFFF, s14;
	[sflag:s12] =	ssyncadd.s32 $0xFFFFB800  }
0x34: {  	[tilespmem:s2], [sflag:$0x2] =	stream.linear.gather [hbm4b:s3+s2], $0x4800, $0x38;
	[tilespmem:$0x4800] =	vst v63  }
0x35: {  	_ =	swait.ge [sflag:s4], $0x4800  }
0x36: {  	[sflag:s4] =	ssyncset.done $0x0  }
0x37: {  	[sflag:s4] =	ssyncadd.s32 $0xFFFFB800  }
0x38: {  	[hbm4b:s5+s2] =	stream.linear.scatter [tilespmem:s2], [sflag:$0x1], $0x4800, $0x38;
	[tilespmem:$0x4800] =	vst v63  }
0x39: {  	_ = 	snop  }
0x3a: {  	[hbm4b:s6+s2] =	stream.linear.scatter [tilespmem:s2], [sflag:$0x1], $0x4800, $0x38;
	[tilespmem:$0x4800] =	vst v63  }
0x3b: {  	_ = 	snop  }
0x3c: {  	[hbm4b:s7+s2] =	stream.linear.scatter [tilespmem:s2], [sflag:$0x1], $0x4800, $0x38;
	[tilespmem:$0x4800] =	vst v63  }
0x3d: {  	_ = 	snop  }
0x3e: {  	[hbm4b:s8+s2] =	stream.linear.scatter [tilespmem:s2], [sflag:$0x1], $0x4800, $0x38;
	[tilespmem:$0x4800] =	vst v63  }
0x3f: {  	_ = 	snop  }
0x40: {  	[hbm4b:s9+s2] =	stream.linear.scatter [tilespmem:s2], [sflag:$0x1], $0x4800, $0x38;
	[tilespmem:$0x4800] =	vst v63  }
0x41: {  	_ = 	snop  }
0x42: {  	[hbm4b:s10+s2] =	stream.linear.scatter [tilespmem:s2], [sflag:$0x1], $0x4800, $0x38;
	[tilespmem:$0x4800] =	vst v63  }
0x43: {  	_ = 	snop  }
0x44: {  	[hbm4b:s11+s2] =	stream.linear.scatter [tilespmem:s2], [sflag:$0x1], $0x4800, $0x38;
	[tilespmem:$0x4800] =	vst v63  }
0x45: {  	_ = 	snop  }
0x46: {  	[hbm4b:s13+s2] =	stream.linear.scatter [tilespmem:s2], [sflag:$0x1], $0x4800, $0x38;
	[tilespmem:$0x4800] =	vst v63  }
0x47: {  	_ =	swait.ge [sflag:s12], $0x4800  }
0x48: {  	[sflag:s12] =	ssyncset.done $0x0  }
0x49: {  	[sflag:s12] =	ssyncadd.s32 $0xFFFFB800  }
0x4a: {  	_ =	swait.ge [sflag:s12], $0x4800  }
0x4b: {  	[sflag:s12] =	ssyncset.done $0x0  }
0x4c: {  	[sflag:s12] =	ssyncadd.s32 $0xFFFFB800  }
0x4d: {  	_ =	swait.ge [sflag:s12], $0x4800  }
0x4e: {  	[sflag:s12] =	ssyncset.done $0x0  }
0x4f: {  	[sflag:s12] =	ssyncadd.s32 $0xFFFFB800  }
0x50: {  	_ =	swait.ge [sflag:s12], $0x4800  }
0x51: {  	[sflag:s12] =	ssyncset.done $0x0  }
0x52: {  	[sflag:s12] =	ssyncadd.s32 $0xFFFFB800  }
0x53: {  	_ =	swait.ge [sflag:s12], $0x4800  }
0x54: {  	[sflag:s12] =	ssyncset.done $0x0  }
0x55: {  	[sflag:s12] =	ssyncadd.s32 $0xFFFFB800  }
0x56: {  	_ =	swait.ge [sflag:s12], $0x4800  }
0x57: {  	[sflag:s12] =	ssyncset.done $0x0  }
0x58: {  	[sflag:s12] =	ssyncadd.s32 $0xFFFFB800  }
.Ltmp1:
0x59: {  	_ =	swait.ge [sflag:s12], $0x4800;
	(pc) =	sbr.rel @p0 .LBB2_1-.Ltmp1, $4  }
0x5a: {  	[sflag:s12] =	ssyncset.done $0x0  }
0x5b: {  	[sflag:s12] =	ssyncadd.s32 $0xFFFFB800  }
0x5c: {  	_ =	swait.ge [sflag:s12], $0x4800  }
0x5d: {  	[sflag:s12] =	ssyncset.done $0x0  }
.LBB2_2:
0x5e: {  	[sflag:s12] =	ssyncadd.s32 $0xFFFFB800  }
0x5f: {  	_ =	sfence.sel $0x180000  }
0x60: {  	[bflag:$0x0] =	sbarrier.arrive $0xFFFF  }
0x61: {  	p0 =	sne.s32 s0, $0x0;
	_ =	strace $0x90000047  }
0x62: {  	s0 =	sadd.s32 @!p0 $0x100000, s1;
	[bflag:$0x2] =	sbarrier.arrive $0xFFFF  }
0x63: {  	[sflag:s0] =	ssyncadd.tile.s32 @!p0 $0x1;
	_ =	shalt  }
.Lfunc_end2:
_tile_overlayer_lowered:
.L_overlay_start_2:
0x64: {  	(tag) =	ssettag $0x2  }
0x65: {  	s0 =	rddreg [dreg:$0x0];
	s2 =	stileid.u32  }
0x66: {  	s1 =	rddreg [dreg:$0x1];
	p0 =	sne.s32 s2, $0x0  }
0x67: {  	s3 =	rddreg [dreg:$0x2];
	[bflag:$0x3] =	sbarrier.arrive $0xFFFF;
	s2 =	simm.s32 @!p0 $0x1C02  }
0x68: {  	[timem:s3], [sflag:s2] =	dma.local @!p0 [hbm:s0], s1  }
0x69: {  	s0 =	simm.s32 @!p0 $0x2  }
0x6a: {  	_ =	swait.ge @!p0 [sflag:s0], s1  }
0x6b: {  	s1 =	ssub.s32 @!p0 $0x0, s1;
	[sflag:s0] =	ssyncset.done @!p0 $0x0  }
0x6c: {  	[sflag:s0] =	ssyncadd.s32 @!p0 s1  }
0x6d: {  	[bflag:$0x3] =	sbarrier.arrive $0xFFFF  }
0x6e: {  	_ =	shalt  }

</sc_bundles>
